<compile_context>
chip_gen: v7x
topology: tpu7x:2x2x1
jax: 0.10.2.dev20260603
libtpu: 0.0.44.dev20260713+nightly
codegen_flags: <defaults>
</compile_context>

<pallas_src>
import functools

import jax
import jax.numpy as jnp
from jax import lax
from jax.experimental import pallas as pl
from jax.experimental.pallas import tpu as pltpu
from jax.experimental.pallas import tpu_sc as plsc

_NC = 2
_NS = 16
_NW = _NC * _NS


def _sc_gather_rows(pe, flat_idx):
    P = flat_idx.shape[0]
    D = pe.shape[1]
    rpw = P // _NW

    mesh = plsc.VectorSubcoreMesh(core_axis_name="c", subcore_axis_name="s")

    @functools.partial(
        pl.kernel,
        out_type=jax.ShapeDtypeStruct((P, D), jnp.float32),
        mesh=mesh,
        scratch_types=[
            pltpu.VMEM((rpw,), jnp.int32),
            pltpu.VMEM((rpw, D), jnp.float32),
            pltpu.SemaphoreType.DMA,
        ],
    )
    def gather_kernel(pe_hbm, idx_hbm, out_hbm, idx_v, rows_v, sem):
        wid = lax.axis_index("s") * _NC + lax.axis_index("c")
        base = wid * rpw
        pltpu.sync_copy(idx_hbm.at[pl.ds(base, rpw)], idx_v)
        pltpu.async_copy(pe_hbm.at[idx_v], rows_v, sem).wait()
        pltpu.sync_copy(rows_v, out_hbm.at[pl.ds(base, rpw)])

    return gather_kernel(pe, flat_idx)


def _combine_body(x_ref, u_ref, w_ref, o_ref):
    u = u_ref[0]
    w = w_ref[0]
    even_u = (lax.broadcasted_iota(jnp.int32, u.shape, 1) & 1) == 0
    even_w = (lax.broadcasted_iota(jnp.int32, w.shape, 1) & 1) == 0
    u_swap = jnp.where(even_u, jnp.roll(u, -1, axis=1), jnp.roll(u, 1, axis=1))
    wc = jnp.where(even_w, jnp.roll(w, -1, axis=1), w)
    ws = jnp.where(even_w, w, -jnp.roll(w, 1, axis=1))
    o_ref[0] = (
        x_ref[0]
        + u[:, None, :] * wc[None, :, :]
        + u_swap[:, None, :] * ws[None, :, :]
    )


def kernel(x, idxs, pe):
    B, N, D = x.shape
    L = idxs.shape[2]
    idxs = idxs.astype(jnp.int32)

    ab = (idxs[0][:, :, None] + idxs[1][:, None, :]).reshape(-1)
    cf = idxs[2].reshape(-1)
    n_real = ab.shape[0] + cf.shape[0]
    pad_to = -(-n_real // (8 * _NW)) * (8 * _NW)
    flat_idx = jnp.concatenate(
        [ab, cf, jnp.zeros((pad_to - n_real,), jnp.int32)]
    )

    rows = _sc_gather_rows(pe, flat_idx)
    U = rows[: B * L * L].reshape(B, L * L, D)
    W = rows[B * L * L : n_real].reshape(B, L, D)

    IJ_BLK = 32
    x4 = x.reshape(B, L * L, L, D)
    out = pl.pallas_call(
        _combine_body,
        grid=(B, (L * L) // IJ_BLK),
        in_specs=[
            pl.BlockSpec((1, IJ_BLK, L, D), lambda b, m: (b, m, 0, 0)),
            pl.BlockSpec((1, IJ_BLK, D), lambda b, m: (b, m, 0)),
            pl.BlockSpec((1, L, D), lambda b, m: (b, 0, 0)),
        ],
        out_specs=pl.BlockSpec((1, IJ_BLK, L, D), lambda b, m: (b, m, 0, 0)),
        out_shape=jax.ShapeDtypeStruct((B, L * L, L, D), jnp.float32),
    )(x4, U, W)
    return out.reshape(B, N, D)

# --- scband reference (transcript-rebuilt; emitter-appended) ---
"""Pipeline reference for scband-absolute-sin-cosine-59072980189365 (READ-ONLY COPY).

The authoritative reference and input builder live on the scoring server;
editing this copy changes nothing except your own understanding.
"""

import math
import jax, jax.numpy as jnp
import numpy as np

D_MODEL = 1024
MAX_LEN = 8192
B = 2
L = 16  # per-level length; total seq = L**3 = 4096


def _build_pe(d_model, max_len):
    position = jnp.arange(max_len, dtype=jnp.float32)[:, None]
    div_term = jnp.exp(jnp.arange(0, d_model, 2, dtype=jnp.float32) * (-math.log(10000.0) / d_model))
    pe = jnp.zeros((max_len, d_model), dtype=jnp.float32)
    pe = pe.at[:, 0::2].set(jnp.sin(position * div_term))
    pe = pe.at[:, 1::2].set(jnp.cos(position * div_term))
    return pe


def setup_inputs(seed: int = 0) -> dict:
    key = jax.random.key(seed)
    k1, k2 = jax.random.split(key)
    x = jax.random.normal(k1, (B, L * L * L, D_MODEL), dtype=jnp.float32)
    idxs = jax.random.randint(k2, (3, B, L), 0, 2730, dtype=jnp.int64 if jax.config.jax_enable_x64 else jnp.int32)
    pe = _build_pe(D_MODEL, MAX_LEN)
    return {"x": x, "idxs": idxs, "pe": pe}


def reference(x, idxs, pe):
    Bv = x.shape[0]
    t = idxs[0]                                   # [B, L]
    t = t[..., None] + idxs[1][:, None, :]        # [B, L, L]
    t = t[..., None] + idxs[2][:, None, None, :]  # [B, L, L, L]
    flat = t.reshape(Bv, -1)                      # [B, L^3]
    x = x + pe[flat]                              # gather [B, L^3, d_model]
    return x

if __name__ == "__main__":
    import jax
    _d = setup_inputs()
    print(jax.jit(kernel)(*tuple(_d.values())))

</pallas_src>

<mosaic_0001>
#map = affine_map<(d0, d1) -> (0, 0)>
#map1 = affine_map<(d0, d1) -> (0)>
module attributes {stable_mosaic.version = 14 : i64} {
  func.func @gather_kernel(%arg0: i32, %arg1: i32, %arg2: memref<8192x1024xf32, #tpu.memory_space<hbm>>, %arg3: memref<768xi32, #tpu.memory_space<hbm>>, %arg4: memref<768x1024xf32, #tpu.memory_space<hbm>>, %arg5: memref<24xi32, #tpu.memory_space<vmem>>, %arg6: memref<24x1024xf32, #tpu.memory_space<vmem>>, %arg7: memref<!tpu.dma_semaphore, #tpu.memory_space<semaphore_mem>>) attributes {dimension_semantics = [#tpu.dimension_semantics<core_parallel>, #tpu.dimension_semantics<subcore_parallel>], iteration_bounds = array<i64: 2, 16>, scalar_prefetch = 0 : i64, scratch_operands = 3 : i64, tpu.core_type = #tpu.core_type<sc_vector_subcore>, window_params = [{transform_indices = #map}, {transform_indices = #map1}, {transform_indices = #map}]} {
    %mul3A = arith.constant 2 : i32
    %mul3A_0 = arith.muli %arg1, %mul3A : i32
    %add3A = arith.addi %mul3A_0, %arg0 : i32
    %mul3A_1 = arith.constant 24 : i32
    %mul3A_2 = arith.muli %add3A, %mul3A_1 : i32
    "tpu.region"() ({
      %run_scoped3A = tpu.sem_alloc : memref<!tpu.dma_semaphore, #tpu.memory_space<semaphore_mem>>
      %dma_start3A_7 = tpu.memref_slice %arg3[%mul3A_2] : memref<768xi32, #tpu.memory_space<hbm>> -> memref<24xi32, #tpu.memory_space<hbm>>
      %dma_start3A_8 = tpu.memref_slice %arg3[%mul3A_2] : memref<768xi32, #tpu.memory_space<hbm>> -> memref<24xi32, #tpu.memory_space<hbm>>
      tpu.enqueue_dma source(%dma_start3A_8 : memref<24xi32, #tpu.memory_space<hbm>>) target(%arg5 : memref<24xi32, #tpu.memory_space<vmem>>) target_semaphore(%run_scoped3A : memref<!tpu.dma_semaphore, #tpu.memory_space<semaphore_mem>>)
      %dma_wait3A_9 = tpu.memref_slice %arg3[%mul3A_2] : memref<768xi32, #tpu.memory_space<hbm>> -> memref<24xi32, #tpu.memory_space<hbm>>
      %dma_wait3A_10 = tpu.memref_slice %arg3[%mul3A_2] : memref<768xi32, #tpu.memory_space<hbm>> -> memref<24xi32, #tpu.memory_space<hbm>>
      tpu.wait_dma2 semaphore(%run_scoped3A : memref<!tpu.dma_semaphore, #tpu.memory_space<semaphore_mem>>) src(%dma_wait3A_10 : memref<24xi32, #tpu.memory_space<hbm>>) dst(%arg5 : memref<24xi32, #tpu.memory_space<vmem>>)
      tpu.yield
    }) : () -> ()
    %dma_start3A = arith.constant 0 : i32
    %dma_start3A_3 = arith.constant 0 : i32
    %dma_start3A_4 = tpu.memref_slice %arg2[%dma_start3A, %dma_start3A_3] : memref<8192x1024xf32, #tpu.memory_space<hbm>> -> memref<8192x1024xf32, #tpu.memory_space<hbm>>
    tpu.enqueue_indirect_dma source(%dma_start3A_4 : memref<8192x1024xf32, #tpu.memory_space<hbm>>) target(%arg6 : memref<24x1024xf32, #tpu.memory_space<vmem>>) offsets(%arg5 : memref<24xi32, #tpu.memory_space<vmem>>) semaphore(%arg7 : memref<!tpu.dma_semaphore, #tpu.memory_space<semaphore_mem>>)
    %dma_wait3A = arith.constant 0 : i32
    %dma_wait3A_5 = arith.constant 0 : i32
    %dma_wait3A_6 = tpu.memref_slice %arg2[%dma_wait3A, %dma_wait3A_5] : memref<8192x1024xf32, #tpu.memory_space<hbm>> -> memref<8192x1024xf32, #tpu.memory_space<hbm>>
    tpu.wait_indirect_dma semaphore(%arg7 : memref<!tpu.dma_semaphore, #tpu.memory_space<semaphore_mem>>) src(%dma_wait3A_6 : memref<8192x1024xf32, #tpu.memory_space<hbm>>) dst(%arg6 : memref<24x1024xf32, #tpu.memory_space<vmem>>)
    "tpu.region"() ({
      %run_scoped3A = tpu.sem_alloc : memref<!tpu.dma_semaphore, #tpu.memory_space<semaphore_mem>>
      %dma_start3A_7 = arith.constant 0 : i32
      %dma_start3A_8 = tpu.memref_slice %arg4[%mul3A_2, %dma_start3A_7] : memref<768x1024xf32, #tpu.memory_space<hbm>> -> memref<24x1024xf32, #tpu.memory_space<hbm>>
      %dma_start3A_9 = arith.constant 0 : i32
      %dma_start3A_10 = tpu.memref_slice %arg4[%mul3A_2, %dma_start3A_9] : memref<768x1024xf32, #tpu.memory_space<hbm>> -> memref<24x1024xf32, #tpu.memory_space<hbm>>
      tpu.enqueue_dma source(%arg6 : memref<24x1024xf32, #tpu.memory_space<vmem>>) target(%dma_start3A_10 : memref<24x1024xf32, #tpu.memory_space<hbm>>) target_semaphore(%run_scoped3A : memref<!tpu.dma_semaphore, #tpu.memory_space<semaphore_mem>>)
      %dma_wait3A_11 = arith.constant 0 : i32
      %dma_wait3A_12 = tpu.memref_slice %arg4[%mul3A_2, %dma_wait3A_11] : memref<768x1024xf32, #tpu.memory_space<hbm>> -> memref<24x1024xf32, #tpu.memory_space<hbm>>
      %dma_wait3A_13 = arith.constant 0 : i32
      %dma_wait3A_14 = tpu.memref_slice %arg4[%mul3A_2, %dma_wait3A_13] : memref<768x1024xf32, #tpu.memory_space<hbm>> -> memref<24x1024xf32, #tpu.memory_space<hbm>>
      tpu.wait_dma2 semaphore(%run_scoped3A : memref<!tpu.dma_semaphore, #tpu.memory_space<semaphore_mem>>) src(%arg6 : memref<24x1024xf32, #tpu.memory_space<vmem>>) dst(%dma_wait3A_14 : memref<24x1024xf32, #tpu.memory_space<hbm>>)
      tpu.yield
    }) : () -> ()
    return
  }
}

module attributes {stable_mosaic.version = 14 : i64} {
  func.func @_combine_body(%arg0: i32, %arg1: i32, %arg2: memref<1x32x16x1024xf32, #tpu.memory_space<vmem>>, %arg3: memref<1x32x1024xf32, #tpu.memory_space<vmem>>, %arg4: memref<1x16x1024xf32, #tpu.memory_space<vmem>>, %arg5: memref<1x32x16x1024xf32, #tpu.memory_space<vmem>>) attributes {dimension_semantics = [#tpu.dimension_semantics<arbitrary>, #tpu.dimension_semantics<arbitrary>], iteration_bounds = array<i64: 2, 8>, scalar_prefetch = 0 : i64, scratch_operands = 0 : i64, tpu.core_type = #tpu.core_type<tc>, window_params = [{transform_indices = @transform_0, window_bounds = array<i64: 1, 32, 16, 1024>}, {transform_indices = @transform_1, window_bounds = array<i64: 1, 32, 1024>}, {transform_indices = @transform_2, window_bounds = array<i64: 1, 16, 1024>}, {transform_indices = @transform_3, window_bounds = array<i64: 1, 32, 16, 1024>}]} {
    %get3A = arith.constant 0 : index
    %get3A_0 = arith.constant 0 : index
    %get3A_1 = arith.constant 0 : index
    %get3A_2 = vector.load %arg3[%get3A, %get3A_0, %get3A_1] : memref<1x32x1024xf32, #tpu.memory_space<vmem>>, vector<1x32x1024xf32>
    %get3A_3 = vector.shape_cast %get3A_2 : vector<1x32x1024xf32> to vector<32x1024xf32>
    %get3A_4 = arith.constant 0 : index
    %get3A_5 = arith.constant 0 : index
    %get3A_6 = arith.constant 0 : index
    %get3A_7 = vector.load %arg4[%get3A_4, %get3A_5, %get3A_6] : memref<1x16x1024xf32, #tpu.memory_space<vmem>>, vector<1x16x1024xf32>
    %get3A_8 = vector.shape_cast %get3A_7 : vector<1x16x1024xf32> to vector<16x1024xf32>
    %iota3A = tpu.iota {dimensions = array<i32: 1>} : vector<32x1024xi32>
    %and3A = arith.constant 1 : i32
    %and3A_9 = vector.broadcast %and3A : i32 to vector<32x1024xi32>
    %and3A_10 = arith.andi %iota3A, %and3A_9 : vector<32x1024xi32>
    %eq3A = arith.constant 0 : i32
    %eq3A_11 = vector.broadcast %eq3A : i32 to vector<32x1024xi32>
    %eq3A_12 = arith.cmpi eq, %and3A_10, %eq3A_11 : vector<32x1024xi32>
    %iota3A_13 = tpu.iota {dimensions = array<i32: 1>} : vector<16x1024xi32>
    %and3A_14 = arith.constant 1 : i32
    %and3A_15 = vector.broadcast %and3A_14 : i32 to vector<16x1024xi32>
    %and3A_16 = arith.andi %iota3A_13, %and3A_15 : vector<16x1024xi32>
    %eq3A_17 = arith.constant 0 : i32
    %eq3A_18 = vector.broadcast %eq3A_17 : i32 to vector<16x1024xi32>
    %eq3A_19 = arith.cmpi eq, %and3A_16, %eq3A_18 : vector<16x1024xi32>
    %slice3A = vector.extract_strided_slice %get3A_3 {offsets = [0, 1], sizes = [32, 1023], strides = [1, 1]} : vector<32x1024xf32> to vector<32x1023xf32>
    %slice3A_20 = vector.extract_strided_slice %get3A_3 {offsets = [0, 0], sizes = [32, 1], strides = [1, 1]} : vector<32x1024xf32> to vector<32x1xf32>
    %concatenate3A = tpu.concatenate %slice3A, %slice3A_20 in 1 : vector<32x1023xf32>, vector<32x1xf32> -> vector<32x1024xf32>
    %slice3A_21 = vector.extract_strided_slice %get3A_3 {offsets = [0, 1023], sizes = [32, 1], strides = [1, 1]} : vector<32x1024xf32> to vector<32x1xf32>
    %slice3A_22 = vector.extract_strided_slice %get3A_3 {offsets = [0, 0], sizes = [32, 1023], strides = [1, 1]} : vector<32x1024xf32> to vector<32x1023xf32>
    %concatenate3A_23 = tpu.concatenate %slice3A_21, %slice3A_22 in 1 : vector<32x1xf32>, vector<32x1023xf32> -> vector<32x1024xf32>
    %select_n3A = arith.select %eq3A_12, %concatenate3A, %concatenate3A_23 : vector<32x1024xi1>, vector<32x1024xf32>
    %slice3A_24 = vector.extract_strided_slice %get3A_8 {offsets = [0, 1], sizes = [16, 1023], strides = [1, 1]} : vector<16x1024xf32> to vector<16x1023xf32>
    %slice3A_25 = vector.extract_strided_slice %get3A_8 {offsets = [0, 0], sizes = [16, 1], strides = [1, 1]} : vector<16x1024xf32> to vector<16x1xf32>
    %concatenate3A_26 = tpu.concatenate %slice3A_24, %slice3A_25 in 1 : vector<16x1023xf32>, vector<16x1xf32> -> vector<16x1024xf32>
    %select_n3A_27 = arith.select %eq3A_19, %concatenate3A_26, %get3A_8 : vector<16x1024xi1>, vector<16x1024xf32>
    %slice3A_28 = vector.extract_strided_slice %get3A_8 {offsets = [0, 1023], sizes = [16, 1], strides = [1, 1]} : vector<16x1024xf32> to vector<16x1xf32>
    %slice3A_29 = vector.extract_strided_slice %get3A_8 {offsets = [0, 0], sizes = [16, 1023], strides = [1, 1]} : vector<16x1024xf32> to vector<16x1023xf32>
    %concatenate3A_30 = tpu.concatenate %slice3A_28, %slice3A_29 in 1 : vector<16x1xf32>, vector<16x1023xf32> -> vector<16x1024xf32>
    %neg3A = arith.constant 0.000000e+00 : f32
    %neg3A_31 = vector.broadcast %neg3A : f32 to vector<16x1024xf32>
    %neg3A_32 = arith.subf %neg3A_31, %concatenate3A_30 : vector<16x1024xf32>
    %select_n3A_33 = arith.select %eq3A_19, %get3A_8, %neg3A_32 : vector<16x1024xi1>, vector<16x1024xf32>
    %get3A_34 = arith.constant 0 : index
    %get3A_35 = arith.constant 0 : index
    %get3A_36 = arith.constant 0 : index
    %get3A_37 = arith.constant 0 : index
    %get3A_38 = vector.load %arg2[%get3A_34, %get3A_35, %get3A_36, %get3A_37] : memref<1x32x16x1024xf32, #tpu.memory_space<vmem>>, vector<1x32x16x1024xf32>
    %get3A_39 = vector.shape_cast %get3A_38 : vector<1x32x16x1024xf32> to vector<32x16x1024xf32>
    %broadcast_in_dim3A = vector.shape_cast %get3A_3 : vector<32x1024xf32> to vector<32x1x1024xf32>
    %broadcast_in_dim3A_40 = vector.shape_cast %select_n3A_27 : vector<16x1024xf32> to vector<1x16x1024xf32>
    %mul3A = vector.broadcast %broadcast_in_dim3A : vector<32x1x1024xf32> to vector<32x16x1024xf32>
    %mul3A_41 = vector.broadcast %broadcast_in_dim3A_40 : vector<1x16x1024xf32> to vector<32x16x1024xf32>
    %mul3A_42 = arith.mulf %mul3A, %mul3A_41 : vector<32x16x1024xf32>
    %add3A = arith.addf %get3A_39, %mul3A_42 : vector<32x16x1024xf32>
    %broadcast_in_dim3A_43 = vector.shape_cast %select_n3A : vector<32x1024xf32> to vector<32x1x1024xf32>
    %broadcast_in_dim3A_44 = vector.shape_cast %select_n3A_33 : vector<16x1024xf32> to vector<1x16x1024xf32>
    %mul3A_45 = vector.broadcast %broadcast_in_dim3A_43 : vector<32x1x1024xf32> to vector<32x16x1024xf32>
    %mul3A_46 = vector.broadcast %broadcast_in_dim3A_44 : vector<1x16x1024xf32> to vector<32x16x1024xf32>
    %mul3A_47 = arith.mulf %mul3A_45, %mul3A_46 : vector<32x16x1024xf32>
    %add3A_48 = arith.addf %add3A, %mul3A_47 : vector<32x16x1024xf32>
    %swap3A = arith.constant 0 : index
    %swap3A_49 = arith.constant 0 : index
    %swap3A_50 = arith.constant 0 : index
    %swap3A_51 = arith.constant 0 : index
    %swap3A_52 = vector.load %arg5[%swap3A, %swap3A_49, %swap3A_50, %swap3A_51] : memref<1x32x16x1024xf32, #tpu.memory_space<vmem>>, vector<1x32x16x1024xf32>
    %swap3A_53 = vector.shape_cast %swap3A_52 : vector<1x32x16x1024xf32> to vector<32x16x1024xf32>
    %swap3A_54 = vector.shape_cast %add3A_48 : vector<32x16x1024xf32> to vector<1x32x16x1024xf32>
    tpu.vector_store %arg5[%swap3A, %swap3A_49, %swap3A_50, %swap3A_51], %swap3A_54 {strides = array<i32>} : memref<1x32x16x1024xf32, #tpu.memory_space<vmem>>, vector<1x32x16x1024xf32>,
    return
  }
  func.func @transform_0(%arg0: i32, %arg1: i32) -> (i32, i32, i32, i32) {
    %c0_i32 = arith.constant 0 : i32
    %c0_i32_0 = arith.constant 0 : i32
    %c0_i32_1 = arith.constant 0 : i32
    return %arg0, %arg1, %c0_i32, %c0_i32_0 : i32, i32, i32, i32
  }
  func.func @transform_1(%arg0: i32, %arg1: i32) -> (i32, i32, i32) {
    %c0_i32 = arith.constant 0 : i32
    %c0_i32_0 = arith.constant 0 : i32
    return %arg0, %arg1, %c0_i32 : i32, i32, i32
  }
  func.func @transform_2(%arg0: i32, %arg1: i32) -> (i32, i32, i32) {
    %c0_i32 = arith.constant 0 : i32
    %c0_i32_0 = arith.constant 0 : i32
    %c0_i32_1 = arith.constant 0 : i32
    return %arg0, %c0_i32, %c0_i32_0 : i32, i32, i32
  }
  func.func @transform_3(%arg0: i32, %arg1: i32) -> (i32, i32, i32, i32) {
    %c0_i32 = arith.constant 0 : i32
    %c0_i32_0 = arith.constant 0 : i32
    %c0_i32_1 = arith.constant 0 : i32
    return %arg0, %arg1, %c0_i32, %c0_i32_0 : i32, i32, i32, i32
  }
}

</mosaic_0001>

<sc_bundles>
// kernel: kernel.4.cloned.1.call-start
scs
__scs_entry_jumppad:
0x0: {  	(pc) =	sbr.rel $0x88, $3  }
0x1: {  	(tag) =	ssettag $0x0;
	lr =	simm.s32 $0x1  }
0x2: {  	[smem:$0x3F9E] =	sst lr;
	_ =	strace $0xD0000000  }
0x3: {  	_ = 	snop  }
0x4: {  	_ = 	snop  }
0x5: {  	_ = 	snop  }
0x6: {  	_ = 	snop  }
0x7: {  	_ = 	snop  }
__scs_overlays_trampoline_lowered:
0x8: {  	[smem:$0x3FAD] =	sst s0  }
0x9: {  	[smem:$0x3FAE] =	sst s1  }
0xa: {  	[smem:$0x3FAF] =	sst s2  }
0xb: {  	[smem:$0x3FB0] =	sst s3  }
0xc: {  	[smem:$0x3FB1] =	sst s4  }
0xd: {  	[smem:$0x3FB2] =	sst s5  }
0xe: {  	[smem:$0x3FB3] =	sst s6  }
0xf: {  	[smem:$0x3FB4] =	sst s7  }
0x10: {  	[smem:$0x3FB5] =	sst s8  }
0x11: {  	[smem:$0x3FB6] =	sst s9;
	s0 =	simm.s32 @!p0 $0x0  }
0x12: {  	s1 =	sld [smem:$0x3F9C];
	s0 =	simm.s32 @p0 $0x1  }
0x13: {  	[smem:$0x3FB7] =	sst s0;
	s0 =	simm.s32 @!p1 $0x0  }
0x14: {  	s2 =	sld [smem:$0x3F9B];
	s0 =	simm.s32 @p1 $0x1  }
0x15: {  	[smem:$0x3FB8] =	sst s0;
	s0 =	simm.s32 @!p2 $0x0  }
0x16: {  	s3 =	sld [smem:$0x3FDB];
	s0 =	simm.s32 @p2 $0x1  }
0x17: {  	s4 =	simm.s32 $0x1BF5;
	[smem:$0x3FBA] =	sst s0  }
0x18: {  	s0 =	sld [smem:$0x3F9D];
	_ =	swait.ge [sflag:s4], $0x0  }
0x19: {  	s7 =	sld [smem:$0x3F9E]  }
0x1a: {  	s8 =	sadd.s32 $0xFFFFE003, lr  }
0x1b: {  	s9 =	sadd.s32 $0xFFFFFEF7, lr;
	s5 =	simm.s32 $0xFFFFFFFF;
	p2 =	slt.u32 s8, $0xFFFFF086  }
0x1c: {  	p1 =	slt.u32 s9, $0xF7A;
	s5 =	simm.s32 @!p2 $0x0  }
0x1d: {  	s5 =	simm.s32 @p1 $0x1;
	p0 =	seq.s32 s7, s2  }
0x1e: {  	s7 =	smul.u32 @!p0 $0xF7A, s2;
	p2 =	seq.s32 @!p0 s5, $0x0  }
0x1f: {  	s9 =	smul.u32 $0xF7A, s1;
	s8 =	simm.s32 @!p0 $0x1BF5;
	p2 =	por !p2, p0  }
0x20: {  	[sflag:s8] =	ssyncset.s32 @!p0 $0xFFFFF086;
	s6 =	sadd.s32 @!p0 s3, s7;
	s7 =	simm.s32 @!p0 $0x108  }
0x21: {  	s3 =	sadd.s32 s3, s9;
	s6 =	sadd.s32 @!p0 $0x88, s6;
	s7 =	simm.s32 @p2 $0x1082  }
0x22: {  	[simem:s7], [sflag:s8] =	dma.local @!p0 [hbm:s6], $0xF7A  }
0x23: {  	s9 =	sor.u32 $0xD0000000, s2;
	s6 =	simm.s32 $0x108;
	_ =	swait.ge @!p0 [sflag:s8], $0x0  }
0x24: {  	s3 =	sadd.s32 $0x88, s3;
	s6 =	simm.s32 @!p1 $0x1082;
	[sflag:s4] =	ssyncset.s32 $0xFFFFF086  }
0x25: {  	[simem:s6], [sflag:s4] =	dma.local [hbm:s3], $0xF7A  }
0x26: {  	[smem:$0x3F9E] =	sst s1;
	(tag) =	ssettag s2;
	_ =	strace s9  }
0x27: {  	s1 =	sld [smem:$0x3FAE]  }
0x28: {  	s2 =	sld [smem:$0x3FAF]  }
0x29: {  	s4 =	sld [smem:$0x3FB1]  }
0x2a: {  	p0 =	seq.s32 s5, $0x0;
	s5 =	sld [smem:$0x3FB2]  }
0x2b: {  	s6 =	sld [smem:$0x3FB3]  }
0x2c: {  	s7 =	sld [smem:$0x3FB4]  }
0x2d: {  	s3 =	simm.s32 $0x108;
	s8 =	sld [smem:$0x3FB5]  }
0x2e: {  	s3 =	simm.s32 @!p0 $0x1082;
	s9 =	sld [smem:$0x3FB6]  }
0x2f: {  	lr =	sadd.s32 s0, s3;
	s0 =	sld [smem:$0x3FAD]  }
0x30: {  	s3 =	sld [smem:$0x3FB0]  }
0x31: {  	[smem:$0x3FB9] =	sst s10  }
0x32: {  	s10 =	sld [smem:$0x3FB7];
	_ =	sdelay $0x3  }
0x33: {  	p0 =	seq.s32 s10, $0x1;
	s10 =	sld [smem:$0x3FB9];
	_ =	sdelay $0x3  }
0x34: {  	[smem:$0x3FB9] =	sst s10  }
0x35: {  	s10 =	sld [smem:$0x3FB8];
	_ =	sdelay $0x3  }
0x36: {  	p1 =	seq.s32 s10, $0x1;
	s10 =	sld [smem:$0x3FB9];
	_ =	sdelay $0x3  }
0x37: {  	[smem:$0x3FB9] =	sst s10  }
0x38: {  	s10 =	sld [smem:$0x3FBA]  }
0x39: {  	_ = 	snop;
	(pc) =	sbr.ind lr, $3  }
0x3a: {  	_ = 	snop  }
0x3b: {  	_ = 	snop  }
0x3c: {  	p2 =	seq.s32 s10, $0x1;
	s10 =	sld [smem:$0x3FB9]  }
0x3d: {  	_ =	shalt  }
0x3e: {  	_ =	shalt  }
0x3f: {  	_ =	shalt  }
0x40: {  	_ =	shalt  }
0x41: {  	_ =	shalt  }
0x42: {  	_ =	shalt  }
0x43: {  	_ =	shalt  }
0x44: {  	_ =	shalt  }
0x45: {  	_ =	shalt  }
0x46: {  	_ =	shalt  }
0x47: {  	_ =	shalt  }
0x48: {  	_ =	shalt  }
0x49: {  	_ =	shalt  }
0x4a: {  	_ =	shalt  }
0x4b: {  	_ =	shalt  }
0x4c: {  	_ =	shalt  }
0x4d: {  	_ =	shalt  }
0x4e: {  	_ =	shalt  }
0x4f: {  	_ =	shalt  }
0x50: {  	_ =	shalt  }
0x51: {  	_ =	shalt  }
0x52: {  	_ =	shalt  }
0x53: {  	_ =	shalt  }
0x54: {  	_ =	shalt  }
0x55: {  	_ =	shalt  }
0x56: {  	_ =	shalt  }
0x57: {  	_ =	shalt  }
0x58: {  	_ =	shalt  }
0x59: {  	_ =	shalt  }
0x5a: {  	_ =	shalt  }
0x5b: {  	_ =	shalt  }
0x5c: {  	_ =	shalt  }
0x5d: {  	_ =	shalt  }
0x5e: {  	_ =	shalt  }
0x5f: {  	_ =	shalt  }
0x60: {  	_ =	shalt  }
0x61: {  	_ =	shalt  }
0x62: {  	_ =	shalt  }
0x63: {  	_ =	shalt  }
0x64: {  	_ =	shalt  }
0x65: {  	_ =	shalt  }
0x66: {  	_ =	shalt  }
0x67: {  	_ =	shalt  }
0x68: {  	_ =	shalt  }
0x69: {  	_ =	shalt  }
0x6a: {  	_ =	shalt  }
0x6b: {  	_ =	shalt  }
0x6c: {  	_ =	shalt  }
0x6d: {  	_ =	shalt  }
0x6e: {  	_ =	shalt  }
0x6f: {  	_ =	shalt  }
0x70: {  	_ =	shalt  }
0x71: {  	_ =	shalt  }
0x72: {  	_ =	shalt  }
0x73: {  	_ =	shalt  }
0x74: {  	_ =	shalt  }
0x75: {  	_ =	shalt  }
0x76: {  	_ =	shalt  }
0x77: {  	_ =	shalt  }
0x78: {  	_ =	shalt  }
0x79: {  	_ =	shalt  }
0x7a: {  	_ =	shalt  }
0x7b: {  	_ =	shalt  }
0x7c: {  	_ =	shalt  }
0x7d: {  	_ =	shalt  }
0x7e: {  	_ =	shalt  }
0x7f: {  	_ =	shalt  }
0x80: {  	_ =	shalt  }
0x81: {  	_ =	shalt  }
0x82: {  	_ =	shalt  }
0x83: {  	_ =	shalt  }
0x84: {  	_ =	shalt  }
0x85: {  	_ =	shalt  }
0x86: {  	_ =	shalt  }
0x87: {  	_ =	shalt  }
.Lfunc_end0:
.L_simem_size_0:
called_computation_lowered:
.L_overlay_start_0:
0x88: {  	s2 =	sld [smem:$0x3FD9]  }
0x89: {  	s3 =	sld [smem:$0x3FFE];
	_ =	sdelay $0x1  }
0x8a: {  	s1 =	srdreg.scid  }
0x8b: {  	s0 =	sand.u32 $0x1, s1  }
0x8c: {  	s17 =	sshll.u32 s0, $0xA;
	s2 =	sadd.s32 s3, s2  }
0x8d: {  	s2 =	sadd.s32 s2, s17  }
0x8e: {  	[smem:$0x3FC5] =	sst s2  }
0x8f: {  	_ = 	snop  }
0x90: {  	s2 =	sld [smem:$0x3FC7]  }
0x91: {  	s18 =	sld [smem:$0x3FD0];
	(tm) =	ssettm $0x1  }
0x92: {  	s4 =	sld [smem:$0x3FFB];
	_ =	sdelay $0x3  }
0x93: {  	_ =	strace s4  }
0x94: {  	s4 =	sld [smem:$0x3FFC];
	_ =	sdelay $0x3  }
0x95: {  	_ =	strace s4  }
0x96: {  	s4 =	sld [smem:$0x3FFD];
	_ =	sdelay $0x3  }
0x97: {  	_ =	strace s4  }
0x98: {  	_ =	strace $0x8FFFFFFF  }
0x99: {  	s19 =	sld [smem:$0x3FDB];
	_ =	sdelay $0x1  }
0x9a: {  	s5 =	simm.s32 $_scs_section_size  }
0x9b: {  	s6 =	simm.s32 $_size__tile_overlayer_lowered;
	s7 =	simm.s32 $_tile_overlayer_lowered  }
0x9c: {  	s22 =	simm.s32 $0x1BFF;
	s21 =	sshll.u32 s7, $0x1;
	s4 =	sadd.s32 s5, s19  }
0x9d: {  	s8 =	simm.s32 $0x0;
	s20 =	sshll.u32 s6, $0x1;
	s6 =	sadd.s32 s21, s4  }
0x9e: {  	[timem:s8], [sflag:s22] =	dma.local [hbm:s6], s20  }
0x9f: {  	_ =	swait.ge [sflag:s22], s20  }
0xa0: {  	s5 =	ssub.s32 $0x0, s20;
	[sflag:s22] =	ssyncset.done $0x0  }
0xa1: {  	[sflag:s22] =	ssyncadd.s32 s5;
	_ =	sdelay $0x1  }
0xa2: {  	s23 =	simm.s32 $0x1B8B  }
0xa3: {  	_ =	swait.ge [sflag:s23], $0x1  }
0xa4: {  	[sflag:s23] =	ssyncset.done $0x0  }
0xa5: {  	s25 =	simm.s32 $0x1B8E;
	s24 =	sld [smem:$0x3FFE];
	[sflag:s23] =	ssyncadd.s32 $0xFFFFFFFF  }
0xa6: {  	s26 =	simm.s32 $execute0_lowered;
	[smem:$0x3FD2] =	sst s25  }
0xa7: {  	s6 =	sshll.u32 s26, $0x1;
	_ =	strace $0x80000046;
	[dreg:$0x1] =	wrdreg $0xFFFFFFFF  }
0xa8: {  	s28 =	simm.s32 $_size_execute0_lowered;
	s4 =	sadd.s32 s4, s6;
	[dreg:$0x0] =	wrdreg $0x0  }
0xa9: {  	s6 =	sshll.u32 s28, $0x1;
	[dreg:$0x2] =	wrdreg s4  }
0xaa: {  	[dreg:$0x3] =	wrdreg s6  }
0xab: {  	[dreg:$0x4] =	wrdreg $0xC0  }
0xac: {  	_ =	task [dreg:s8], $0x5FFFF  }
0xad: {  	[dreg:$0x1] =	wrdreg $0xFFFFFFFF  }
0xae: {  	[dreg:$0x0] =	wrdreg $0x60  }
0xaf: {  	[dreg:$0x2] =	wrdreg s2  }
0xb0: {  	[dreg:$0x3] =	wrdreg s24  }
0xb1: {  	[dreg:$0x4] =	wrdreg s18  }
0xb2: {  	[dreg:$0x5] =	wrdreg $0x9  }
0xb3: {  	_ =	task.clear_ibuf [dreg:s8], $0x6FFFF;
	_ =	strace $0x90000046  }
0xb4: {  	s29 =	simm.s32 $0x9;
	_ =	strace $0x80000048  }
0xb5: {  	_ =	swait.ge [sflag:s29], $0x1  }
0xb6: {  	[sflag:s29] =	ssyncadd.s32 $0xFFFFFFFF  }
0xb7: {  	_ =	strace $0x90000048  }
0xb8: {  	_ =	sfence  }
0xb9: {  	s30 =	sld [smem:$0x0];
	_ =	sdelay $0x2  }
0xba: {  	s31 =	sshll.u32 s1, $0xD;
	s1 =	sshrl.u32 s1, $0x2  }
0xbb: {  	s3 =	sand.u32 $0x4000, s31;
	s1 =	sadd.s32 s1, s30  }
0xbc: {  	s0 =	sor.u32 s3, s0;
	s1 =	sshll.u32 s1, $0x11  }
0xbd: {  	s0 =	sor.u32 s1, s0  }
0xbe: {  	s0 =	sadd.s32 $0x8F2B, s0  }
0xbf: {  	[sflag:s0] =	ssyncadd.remote.s32 $0x1  }
0xc0: {  	_ =	sfence.sel $0xFFFF  }
0xc1: {  	[dreg:$0x0] =	wrdreg $0xFFFFFFFF;
	(pc) =	sbr.abs _section_cstart, $3  }
0xc2: {  	[dreg:$0x1] =	wrdreg $0xFFFFFFFF  }
0xc3: {  	_ =	task.clear_ibuf [dreg:s8], $0x2FFFF;
	_ =	strace $0x9FFFFFFF  }
0xc4: {  	(tm) =	ssettm $0x7FFFFFFF  }
0xc5: {  	_ =	shalt  }
tec
execute0_lowered:
.L_overlay_start_1:
0x0: {  	(tag) =	ssettag $0x1  }
0x1: {  	s1 =	rddreg [dreg:$0x0]  }
0x2: {  	s4 =	rddreg [dreg:$0x1];
	s2 =	srdreg.scid  }
0x3: {  	s0 =	stileid.u32;
	s8 =	rddreg [dreg:$0x2]  }
0x4: {  	s3 =	simm.s32 $0x0;
	s11 =	simm.s32 $0x80;
	s12 =	simm.s32 $0x880  }
0x5: {  	s13 =	simm.s32 $0x1080;
	s14 =	simm.s32 $0x1880;
	s15 =	simm.s32 $0x2080  }
0x6: {  	s16 =	simm.s32 $0x2880;
	s17 =	simm.s32 $0x3080;
	s18 =	simm.s32 $0x3880  }
0x7: {  	s19 =	simm.s32 $0x4080;
	s20 =	simm.s32 $0x4880;
	s21 =	simm.s32 $0x5080  }
0x8: {  	s22 =	simm.s32 $0x5880;
	s5 =	sand.u32 $0x1, s2;
	s6 =	sshll.u32 s0, $0x1  }
0x9: {  	s23 =	simm.s32 $0x1;
	s2 =	rddreg [dreg:$0x3];
	s6 =	sor.u32 s5, s6  }
0xa: {  	[smem:$0x7FF] =	sst s3;
	s5 =	ssub.s32 $0x2, s5;
	s7 =	smul.u32 $0x3, s6  }
0xb: {  	_ =	strace $0x80000047;
	s31 =	sshrl.u32 s5, $0x1;
	s9 =	smul.u32 $0xC00, s6  }
0xc: {  	v2 =	vlaneseq.u32;
	s6 =	sadd.s32 $0x200, s1;
	s10 =	ssub.s32 s5, s31;
	s5 =	sadd.s32 $0x100, s1  }
0xd: {  	vm0 =	vmmov $0xffff;
	v1 =	vshrl.u32 v2, $0x3;
	s4 =	sadd.s32 s7, s4;
	s7 =	sadd.s32 $0x300, s1;
	s8 =	sadd.s32 s8, s9  }
0xe: {  	v0 =	vand.u32 $0x7, v2;
	v2 =	vor.u32 $0x8, v2;
	v1 =	vmul.u32 $0x8, v1;
	s9 =	smax.u32 s10, $0x1;
	s10 =	simm.s32 $0x2;
	s4 =	sadd.s32 $0x600, s4  }
.LBB2_1:
0xf: {  	[tilespmem:s3], [sflag:$0x2] =	stream.linear.gather [hbm4b:s4+s3], $0x18, $0x38;
	[tilespmem:$0x6080] =	vst v63  }
0x10: {  	_ =	swait.ge [sflag:s10], $0x18  }
0x11: {  	[sflag:s10] =	ssyncset.done $0x0  }
0x12: {  	[sflag:s10] =	ssyncadd.s32 $0xFFFFFFE8  }
0x13: {  	v3 =	vld [tilespmem:$0x0];
	_ =	sdelay $0x4  }
0x14: {  	v4 =	vshll.u32 v3, $0x3  }
0x15: {  	v3 =	vand.u32 $0x7, v3;
	v4 =	vand.u32 $0xFFFFFFC0, v4  }
0x16: {  	v3 =	vor.u32 v3, v4  }
0x17: {  	v4 =	vperm.xlane v3, v0;
	_ =	sdelay $0x1  }
0x18: {  	v4 =	vadd.s32 v1, v4;
	_ =	sdelay $0x4  }
0x19: {  	[tilespmem:s11], [sflag:$0x1] =	stream.indirect_vreg.gather [hbm4b:s1+s3], $0x80, v4, vm0, $0xb8;
	[tilespmem:$0x6080] =	vst v63  }
0x1a: {  	v3 =	vperm.xlane v3, v2  }
0x1b: {  	[tilespmem:s12], [sflag:$0x1] =	stream.indirect_vreg.gather [hbm4b:s5+s3], $0x80, v4, vm0, $0xb8;
	[tilespmem:$0x6080] =	vst v63  }
0x1c: {  	v3 =	vadd.s32 v1, v3  }
0x1d: {  	[tilespmem:s13], [sflag:$0x1] =	stream.indirect_vreg.gather [hbm4b:s6+s3], $0x80, v4, vm0, $0xb8;
	[tilespmem:$0x6080] =	vst v63  }
0x1e: {  	_ = 	snop  }
0x1f: {  	[tilespmem:s14], [sflag:$0x1] =	stream.indirect_vreg.gather [hbm4b:s7+s3], $0x80, v4, vm0, $0xb8;
	[tilespmem:$0x6080] =	vst v63  }
0x20: {  	_ = 	snop  }
0x21: {  	[tilespmem:s15], [sflag:$0x1] =	stream.indirect_vreg.gather [hbm4b:s1+s3], $0x80, v3, vm0, $0xb8;
	[tilespmem:$0x6080] =	vst v63  }
0x22: {  	_ = 	snop  }
0x23: {  	[tilespmem:s16], [sflag:$0x1] =	stream.indirect_vreg.gather [hbm4b:s5+s3], $0x80, v3, vm0, $0xb8;
	[tilespmem:$0x6080] =	vst v63  }
0x24: {  	_ = 	snop  }
0x25: {  	[tilespmem:s17], [sflag:$0x1] =	stream.indirect_vreg.gather [hbm4b:s6+s3], $0x80, v3, vm0, $0xb8;
	[tilespmem:$0x6080] =	vst v63  }
0x26: {  	_ = 	snop  }
0x27: {  	[tilespmem:s18], [sflag:$0x1] =	stream.indirect_vreg.gather [hbm4b:s7+s3], $0x80, v3, vm0, $0xb8;
	[tilespmem:$0x6080] =	vst v63  }
0x28: {  	v3 =	vld.msk [tilespmem:$0x10], $0xff;
	_ =	sdelay $0x4  }
0x29: {  	v63 =	vshll.u32 v3, $0x3  }
0x2a: {  	v3 =	vand.u32 $0x7, v3;
	v4 =	vand.u32 $0xFFFFFFC0, v63  }
0x2b: {  	v3 =	vor.u32 v3, v4  }
0x2c: {  	v3 =	vperm.xlane v3, v0;
	_ =	sdelay $0x1  }
0x2d: {  	v3 =	vadd.s32 v1, v3;
	_ =	sdelay $0x4  }
0x2e: {  	[tilespmem:s19], [sflag:$0x1] =	stream.indirect_vreg.gather [hbm4b:s1+s3], $0x80, v3, vm0, $0xb8;
	[tilespmem:$0x6080] =	vst v63  }
0x2f: {  	_ = 	snop  }
0x30: {  	[tilespmem:s20], [sflag:$0x1] =	stream.indirect_vreg.gather [hbm4b:s5+s3], $0x80, v3, vm0, $0xb8;
	[tilespmem:$0x6080] =	vst v63  }
0x31: {  	_ = 	snop  }
0x32: {  	[tilespmem:s21], [sflag:$0x1] =	stream.indirect_vreg.gather [hbm4b:s6+s3], $0x80, v3, vm0, $0xb8;
	[tilespmem:$0x6080] =	vst v63  }
0x33: {  	_ = 	snop  }
0x34: {  	[tilespmem:s22], [sflag:$0x1] =	stream.indirect_vreg.gather [hbm4b:s7+s3], $0x80, v3, vm0, $0xb8;
	[tilespmem:$0x6080] =	vst v63  }
0x35: {  	_ =	swait.ge [sflag:s23], $0x6000  }
0x36: {  	p0 =	sne.s32 s9, $0x1;
	[sflag:s23] =	ssyncset.done $0x0  }
.Ltmp0:
0x37: {  	[sflag:s23] =	ssyncadd.s32 $0xFFFFA000;
	(pc) =	sbr.rel @p0 .LBB2_1-.Ltmp0, $4  }
0x38: {  	[hbm4b:s8+s3] =	stream.linear.scatter [tilespmem:s11], [sflag:$0x2], $0x6000, $0x38;
	[tilespmem:$0x6080] =	vst v63  }
0x39: {  	_ =	swait.ge [sflag:s10], $0x6000  }
0x3a: {  	[sflag:s10] =	ssyncset.done $0x0  }
0x3b: {  	s9 =	sadd.s32 $0xFFFFFFFF, s9;
	[sflag:s10] =	ssyncadd.s32 $0xFFFFA000  }
0x3c: {  	_ =	sfence.sel $0x180000  }
0x3d: {  	[bflag:$0x0] =	sbarrier.arrive $0xFFFF  }
0x3e: {  	p0 =	sne.s32 s0, $0x0;
	_ =	strace $0x90000047  }
0x3f: {  	s0 =	sadd.s32 @!p0 $0x100000, s2;
	[bflag:$0x2] =	sbarrier.arrive $0xFFFF  }
0x40: {  	[sflag:s0] =	ssyncadd.tile.s32 @!p0 $0x1;
	_ =	shalt  }
.Lfunc_end2:
_tile_overlayer_lowered:
.L_overlay_start_2:
0x41: {  	(tag) =	ssettag $0x2  }
0x42: {  	s0 =	rddreg [dreg:$0x0];
	s2 =	stileid.u32  }
0x43: {  	s1 =	rddreg [dreg:$0x1];
	p0 =	sne.s32 s2, $0x0  }
0x44: {  	s3 =	rddreg [dreg:$0x2];
	[bflag:$0x3] =	sbarrier.arrive $0xFFFF;
	s2 =	simm.s32 @!p0 $0x1C02  }
0x45: {  	[timem:s3], [sflag:s2] =	dma.local @!p0 [hbm:s0], s1  }
0x46: {  	s0 =	simm.s32 @!p0 $0x2  }
0x47: {  	_ =	swait.ge @!p0 [sflag:s0], s1  }
0x48: {  	s1 =	ssub.s32 @!p0 $0x0, s1;
	[sflag:s0] =	ssyncset.done @!p0 $0x0  }
0x49: {  	[sflag:s0] =	ssyncadd.s32 @!p0 s1  }
0x4a: {  	[bflag:$0x3] =	sbarrier.arrive $0xFFFF  }
0x4b: {  	_ =	shalt  }

</sc_bundles>
